<compile_context>
chip_gen: v7x
topology: tpu7x:2x2x1
jax: 0.10.2.dev20260603
libtpu: 0.0.44.dev20260713+nightly
codegen_flags: <defaults>
</compile_context>

<pallas_src>
import functools

import jax
import jax.numpy as jnp
from jax import lax
from jax.experimental import pallas as pl
from jax.experimental.pallas import tpu as pltpu
from jax.experimental.pallas import tpu_sc as plsc


def _make_sc_kernel(batch: int, n_clusters: int, num_cores: int):
    info = plsc.get_sparse_core_info()
    num_subcores = info.num_subcores
    lanes = info.num_lanes
    num_workers = num_cores * num_subcores
    per_worker = batch // num_workers

    mesh = plsc.VectorSubcoreMesh(
        core_axis_name="core", subcore_axis_name="subcore",
        num_cores=num_cores,
    )

    @functools.partial(
        pl.kernel,
        out_type=jax.ShapeDtypeStruct((batch,), jnp.float32),
        mesh=mesh,
        compiler_params=pltpu.CompilerParams(
            needs_layout_passes=False,
            skip_device_barrier=True,
            disable_bounds_checks=True,
            disable_semaphore_checks=True,
        ),
        scratch_types=[
            pltpu.VMEM((n_clusters,), jnp.float32),
            pltpu.VMEM((n_clusters,), jnp.float32),
            pltpu.VMEM((per_worker,), jnp.int32),
            pltpu.VMEM((per_worker,), jnp.float32),
            pltpu.VMEM((per_worker,), jnp.float32),
            pltpu.SemaphoreType.DMA,
            pltpu.SemaphoreType.DMA,
        ],
    )
    def run(s_hbm, x_hbm, a_hbm, b_hbm, out_hbm, a_v, b_v, idx_v, s_v, o_v,
            sem, osem):
        wid = lax.axis_index("subcore") * num_cores + lax.axis_index("core")
        base = wid * per_worker
        c1 = pltpu.async_copy(a_hbm, a_v, sem)
        c2 = pltpu.async_copy(b_hbm, b_v, sem)
        c3 = pltpu.async_copy(x_hbm.at[pl.ds(base, per_worker)], idx_v, sem)
        c4 = pltpu.async_copy(s_hbm.at[pl.ds(base, per_worker)], s_v, sem)
        c1.wait()
        c2.wait()
        c3.wait()
        c4.wait()
        half = per_worker // 2

        @plsc.parallel_loop(0, half, step=lanes, unroll=2)
        def _(off):
            sl = pl.ds(off, lanes)
            idx = idx_v[sl]
            a_g = plsc.load_gather(a_v, [idx])
            b_g = plsc.load_gather(b_v, [idx])
            o_v[sl] = jnp.abs(b_g) - jnp.abs(a_g) * s_v[sl]

        o1 = pltpu.async_copy(
            o_v.at[pl.ds(0, half)], out_hbm.at[pl.ds(base, half)], osem
        )

        @plsc.parallel_loop(half, per_worker, step=lanes, unroll=2)
        def _(off):
            sl = pl.ds(off, lanes)
            idx = idx_v[sl]
            a_g = plsc.load_gather(a_v, [idx])
            b_g = plsc.load_gather(b_v, [idx])
            o_v[sl] = jnp.abs(b_g) - jnp.abs(a_g) * s_v[sl]

        o2 = pltpu.async_copy(
            o_v.at[pl.ds(half, half)], out_hbm.at[pl.ds(base + half, half)],
            osem,
        )
        o1.wait()
        o2.wait()

    return run


def kernel(s, x_cluster, a, b):
    batch = s.shape[0]
    n_clusters = a.shape[0]
    run = _make_sc_kernel(batch, n_clusters, num_cores=1)
    return run(s, x_cluster.astype(jnp.int32), a, b)

# --- scband reference (transcript-rebuilt; emitter-appended) ---
"""Pipeline reference for scband-abstract-sn-19980187861095 (READ-ONLY COPY).

The authoritative reference and input builder live on the scoring server;
editing this copy changes nothing except your own understanding.
"""

import jax, jax.numpy as jnp
import numpy as np

N_CLUSTERS = 1000
BATCH = 16384

def setup_inputs(seed: int = 0) -> dict:
    key = jax.random.key(seed)
    k1, k2 = jax.random.split(key)
    s = jax.random.normal(k1, (BATCH,), dtype=jnp.float32)
    x_cluster = jax.random.randint(k2, (BATCH,), 0, N_CLUSTERS, dtype=jnp.int64 if jax.config.jax_enable_x64 else jnp.int32)
    # learned params per AbstractSN._register_params
    a = jnp.ones((N_CLUSTERS,), dtype=jnp.float32)
    b = jnp.ones((N_CLUSTERS,), dtype=jnp.float32) * 5.0
    return {"s": s, "x_cluster": x_cluster, "a": a, "b": b}

def reference(s, x_cluster, a, b):
    # _linear: -|a[x_cluster]| * s + |b[x_cluster]|  (activ = torch.abs)
    a_g = jnp.take(a, x_cluster, axis=0)
    b_g = jnp.take(b, x_cluster, axis=0)
    out = -jnp.multiply(jnp.abs(a_g), s) + jnp.abs(b_g)
    return out

if __name__ == "__main__":
    import jax
    _d = setup_inputs()
    print(jax.jit(kernel)(*tuple(_d.values())))

</pallas_src>

<mosaic_0001>
#map = affine_map<(d0, d1) -> (0)>
module attributes {stable_mosaic.version = 14 : i64} {
  func.func @run(%arg0: i32, %arg1: i32, %arg2: memref<16384xf32, #tpu.memory_space<hbm>>, %arg3: memref<16384xi32, #tpu.memory_space<hbm>>, %arg4: memref<1000xf32, #tpu.memory_space<hbm>>, %arg5: memref<1000xf32, #tpu.memory_space<hbm>>, %arg6: memref<16384xf32, #tpu.memory_space<hbm>>, %arg7: memref<1000xf32, #tpu.memory_space<vmem>>, %arg8: memref<1000xf32, #tpu.memory_space<vmem>>, %arg9: memref<1024xi32, #tpu.memory_space<vmem>>, %arg10: memref<1024xf32, #tpu.memory_space<vmem>>, %arg11: memref<1024xf32, #tpu.memory_space<vmem>>, %arg12: memref<!tpu.dma_semaphore, #tpu.memory_space<semaphore_mem>>, %arg13: memref<!tpu.dma_semaphore, #tpu.memory_space<semaphore_mem>>) attributes {dimension_semantics = [#tpu.dimension_semantics<core_parallel>, #tpu.dimension_semantics<subcore_parallel>], iteration_bounds = array<i64: 1, 16>, scalar_prefetch = 0 : i64, scratch_operands = 7 : i64, tpu.core_type = #tpu.core_type<sc_vector_subcore>, window_params = [{transform_indices = #map}, {transform_indices = #map}, {transform_indices = #map}, {transform_indices = #map}, {transform_indices = #map}]} {
    %mul3A = arith.constant 1 : i32
    %mul3A_0 = arith.muli %arg1, %mul3A : i32
    %add3A = arith.addi %mul3A_0, %arg0 : i32
    %mul3A_1 = arith.constant 1024 : i32
    %mul3A_2 = arith.muli %add3A, %mul3A_1 : i32
    tpu.enqueue_dma source(%arg4 : memref<1000xf32, #tpu.memory_space<hbm>>) target(%arg7 : memref<1000xf32, #tpu.memory_space<vmem>>) target_semaphore(%arg12 : memref<!tpu.dma_semaphore, #tpu.memory_space<semaphore_mem>>)
    tpu.enqueue_dma source(%arg5 : memref<1000xf32, #tpu.memory_space<hbm>>) target(%arg8 : memref<1000xf32, #tpu.memory_space<vmem>>) target_semaphore(%arg12 : memref<!tpu.dma_semaphore, #tpu.memory_space<semaphore_mem>>)
    %dma_start3A = tpu.memref_slice %arg3[%mul3A_2] : memref<16384xi32, #tpu.memory_space<hbm>> -> memref<1024xi32, #tpu.memory_space<hbm>>
    %dma_start3A_3 = tpu.memref_slice %arg3[%mul3A_2] : memref<16384xi32, #tpu.memory_space<hbm>> -> memref<1024xi32, #tpu.memory_space<hbm>>
    tpu.enqueue_dma source(%dma_start3A_3 : memref<1024xi32, #tpu.memory_space<hbm>>) target(%arg9 : memref<1024xi32, #tpu.memory_space<vmem>>) target_semaphore(%arg12 : memref<!tpu.dma_semaphore, #tpu.memory_space<semaphore_mem>>)
    %dma_start3A_4 = tpu.memref_slice %arg2[%mul3A_2] : memref<16384xf32, #tpu.memory_space<hbm>> -> memref<1024xf32, #tpu.memory_space<hbm>>
    %dma_start3A_5 = tpu.memref_slice %arg2[%mul3A_2] : memref<16384xf32, #tpu.memory_space<hbm>> -> memref<1024xf32, #tpu.memory_space<hbm>>
    tpu.enqueue_dma source(%dma_start3A_5 : memref<1024xf32, #tpu.memory_space<hbm>>) target(%arg10 : memref<1024xf32, #tpu.memory_space<vmem>>) target_semaphore(%arg12 : memref<!tpu.dma_semaphore, #tpu.memory_space<semaphore_mem>>)
    tpu.wait_dma2 semaphore(%arg12 : memref<!tpu.dma_semaphore, #tpu.memory_space<semaphore_mem>>) src(%arg4 : memref<1000xf32, #tpu.memory_space<hbm>>) dst(%arg7 : memref<1000xf32, #tpu.memory_space<vmem>>)
    tpu.wait_dma2 semaphore(%arg12 : memref<!tpu.dma_semaphore, #tpu.memory_space<semaphore_mem>>) src(%arg5 : memref<1000xf32, #tpu.memory_space<hbm>>) dst(%arg8 : memref<1000xf32, #tpu.memory_space<vmem>>)
    %dma_wait3A = tpu.memref_slice %arg3[%mul3A_2] : memref<16384xi32, #tpu.memory_space<hbm>> -> memref<1024xi32, #tpu.memory_space<hbm>>
    %dma_wait3A_6 = tpu.memref_slice %arg3[%mul3A_2] : memref<16384xi32, #tpu.memory_space<hbm>> -> memref<1024xi32, #tpu.memory_space<hbm>>
    tpu.wait_dma2 semaphore(%arg12 : memref<!tpu.dma_semaphore, #tpu.memory_space<semaphore_mem>>) src(%dma_wait3A_6 : memref<1024xi32, #tpu.memory_space<hbm>>) dst(%arg9 : memref<1024xi32, #tpu.memory_space<vmem>>)
    %dma_wait3A_7 = tpu.memref_slice %arg2[%mul3A_2] : memref<16384xf32, #tpu.memory_space<hbm>> -> memref<1024xf32, #tpu.memory_space<hbm>>
    %dma_wait3A_8 = tpu.memref_slice %arg2[%mul3A_2] : memref<16384xf32, #tpu.memory_space<hbm>> -> memref<1024xf32, #tpu.memory_space<hbm>>
    tpu.wait_dma2 semaphore(%arg12 : memref<!tpu.dma_semaphore, #tpu.memory_space<semaphore_mem>>) src(%dma_wait3A_8 : memref<1024xf32, #tpu.memory_space<hbm>>) dst(%arg10 : memref<1024xf32, #tpu.memory_space<vmem>>)
    %parallel_loop3A = arith.constant 0 : i32
    %parallel_loop3A_9 = arith.constant 512 : i32
    %parallel_loop3A_10 = arith.constant 16 : i32
    scf.for %parallel_loop3A_40 = %parallel_loop3A to %parallel_loop3A_9 step %parallel_loop3A_10  : i32 {
      %parallel_loop3A_41 = arith.index_cast %parallel_loop3A_40 : i32 to index
      %parallel_loop3A_42 = tpu.vector_load %arg9[%parallel_loop3A_41] {strides = array<i32>} : memref<1024xi32, #tpu.memory_space<vmem>>, vector<16xi32>,
      %parallel_loop3A_43 = tpu.vector_load_idx %arg7[%parallel_loop3A_42] : memref<1000xf32, #tpu.memory_space<vmem>>[vector<16xi32>], vector<16xf32>,
      %parallel_loop3A_44 = tpu.vector_load_idx %arg8[%parallel_loop3A_42] : memref<1000xf32, #tpu.memory_space<vmem>>[vector<16xi32>], vector<16xf32>,
      %parallel_loop3A_45 = math.absf %parallel_loop3A_44 : vector<16xf32>
      %parallel_loop3A_46 = math.absf %parallel_loop3A_43 : vector<16xf32>
      %parallel_loop3A_47 = arith.index_cast %parallel_loop3A_40 : i32 to index
      %parallel_loop3A_48 = tpu.vector_load %arg10[%parallel_loop3A_47] {strides = array<i32>} : memref<1024xf32, #tpu.memory_space<vmem>>, vector<16xf32>,
      %parallel_loop3A_49 = arith.mulf %parallel_loop3A_46, %parallel_loop3A_48 : vector<16xf32>
      %parallel_loop3A_50 = arith.subf %parallel_loop3A_45, %parallel_loop3A_49 : vector<16xf32>
      %parallel_loop3A_51 = arith.index_cast %parallel_loop3A_40 : i32 to index
      %parallel_loop3A_52 = tpu.vector_load %arg11[%parallel_loop3A_51] {strides = array<i32>} : memref<1024xf32, #tpu.memory_space<vmem>>, vector<16xf32>,
      tpu.vector_store %arg11[%parallel_loop3A_51], %parallel_loop3A_50 {strides = array<i32>} : memref<1024xf32, #tpu.memory_space<vmem>>, vector<16xf32>,
    } {sc.loop_unroll_factor = 2 : i64, sc.parallel_access}
    %dma_start3A_11 = arith.constant 0 : i32
    %dma_start3A_12 = tpu.memref_slice %arg11[%dma_start3A_11] : memref<1024xf32, #tpu.memory_space<vmem>> -> memref<512xf32, #tpu.memory_space<vmem>>
    %dma_start3A_13 = tpu.memref_slice %arg6[%mul3A_2] : memref<16384xf32, #tpu.memory_space<hbm>> -> memref<512xf32, #tpu.memory_space<hbm>>
    %dma_start3A_14 = tpu.memref_slice %arg6[%mul3A_2] : memref<16384xf32, #tpu.memory_space<hbm>> -> memref<512xf32, #tpu.memory_space<hbm>>
    %dma_start3A_15 = arith.constant 0 : i32
    %dma_start3A_16 = tpu.memref_slice %arg11[%dma_start3A_15] : memref<1024xf32, #tpu.memory_space<vmem>> -> memref<512xf32, #tpu.memory_space<vmem>>
    tpu.enqueue_dma source(%dma_start3A_16 : memref<512xf32, #tpu.memory_space<vmem>>) target(%dma_start3A_14 : memref<512xf32, #tpu.memory_space<hbm>>) target_semaphore(%arg13 : memref<!tpu.dma_semaphore, #tpu.memory_space<semaphore_mem>>)
    %parallel_loop3A_17 = arith.constant 512 : i32
    %parallel_loop3A_18 = arith.constant 1024 : i32
    %parallel_loop3A_19 = arith.constant 16 : i32
    scf.for %parallel_loop3A_40 = %parallel_loop3A_17 to %parallel_loop3A_18 step %parallel_loop3A_19  : i32 {
      %parallel_loop3A_41 = arith.index_cast %parallel_loop3A_40 : i32 to index
      %parallel_loop3A_42 = tpu.vector_load %arg9[%parallel_loop3A_41] {strides = array<i32>} : memref<1024xi32, #tpu.memory_space<vmem>>, vector<16xi32>,
      %parallel_loop3A_43 = tpu.vector_load_idx %arg7[%parallel_loop3A_42] : memref<1000xf32, #tpu.memory_space<vmem>>[vector<16xi32>], vector<16xf32>,
      %parallel_loop3A_44 = tpu.vector_load_idx %arg8[%parallel_loop3A_42] : memref<1000xf32, #tpu.memory_space<vmem>>[vector<16xi32>], vector<16xf32>,
      %parallel_loop3A_45 = math.absf %parallel_loop3A_44 : vector<16xf32>
      %parallel_loop3A_46 = math.absf %parallel_loop3A_43 : vector<16xf32>
      %parallel_loop3A_47 = arith.index_cast %parallel_loop3A_40 : i32 to index
      %parallel_loop3A_48 = tpu.vector_load %arg10[%parallel_loop3A_47] {strides = array<i32>} : memref<1024xf32, #tpu.memory_space<vmem>>, vector<16xf32>,
      %parallel_loop3A_49 = arith.mulf %parallel_loop3A_46, %parallel_loop3A_48 : vector<16xf32>
      %parallel_loop3A_50 = arith.subf %parallel_loop3A_45, %parallel_loop3A_49 : vector<16xf32>
      %parallel_loop3A_51 = arith.index_cast %parallel_loop3A_40 : i32 to index
      %parallel_loop3A_52 = tpu.vector_load %arg11[%parallel_loop3A_51] {strides = array<i32>} : memref<1024xf32, #tpu.memory_space<vmem>>, vector<16xf32>,
      tpu.vector_store %arg11[%parallel_loop3A_51], %parallel_loop3A_50 {strides = array<i32>} : memref<1024xf32, #tpu.memory_space<vmem>>, vector<16xf32>,
    } {sc.loop_unroll_factor = 2 : i64, sc.parallel_access}
    %add3A_20 = arith.constant 512 : i32
    %add3A_21 = arith.addi %mul3A_2, %add3A_20 : i32
    %dma_start3A_22 = arith.constant 512 : i32
    %dma_start3A_23 = tpu.memref_slice %arg11[%dma_start3A_22] : memref<1024xf32, #tpu.memory_space<vmem>> -> memref<512xf32, #tpu.memory_space<vmem>>
    %dma_start3A_24 = tpu.memref_slice %arg6[%add3A_21] : memref<16384xf32, #tpu.memory_space<hbm>> -> memref<512xf32, #tpu.memory_space<hbm>>
    %dma_start3A_25 = tpu.memref_slice %arg6[%add3A_21] : memref<16384xf32, #tpu.memory_space<hbm>> -> memref<512xf32, #tpu.memory_space<hbm>>
    %dma_start3A_26 = arith.constant 512 : i32
    %dma_start3A_27 = tpu.memref_slice %arg11[%dma_start3A_26] : memref<1024xf32, #tpu.memory_space<vmem>> -> memref<512xf32, #tpu.memory_space<vmem>>
    tpu.enqueue_dma source(%dma_start3A_27 : memref<512xf32, #tpu.memory_space<vmem>>) target(%dma_start3A_25 : memref<512xf32, #tpu.memory_space<hbm>>) target_semaphore(%arg13 : memref<!tpu.dma_semaphore, #tpu.memory_space<semaphore_mem>>)
    %dma_wait3A_28 = arith.constant 0 : i32
    %dma_wait3A_29 = tpu.memref_slice %arg11[%dma_wait3A_28] : memref<1024xf32, #tpu.memory_space<vmem>> -> memref<512xf32, #tpu.memory_space<vmem>>
    %dma_wait3A_30 = tpu.memref_slice %arg6[%mul3A_2] : memref<16384xf32, #tpu.memory_space<hbm>> -> memref<512xf32, #tpu.memory_space<hbm>>
    %dma_wait3A_31 = tpu.memref_slice %arg6[%mul3A_2] : memref<16384xf32, #tpu.memory_space<hbm>> -> memref<512xf32, #tpu.memory_space<hbm>>
    %dma_wait3A_32 = arith.constant 0 : i32
    %dma_wait3A_33 = tpu.memref_slice %arg11[%dma_wait3A_32] : memref<1024xf32, #tpu.memory_space<vmem>> -> memref<512xf32, #tpu.memory_space<vmem>>
    tpu.wait_dma2 semaphore(%arg13 : memref<!tpu.dma_semaphore, #tpu.memory_space<semaphore_mem>>) src(%dma_wait3A_33 : memref<512xf32, #tpu.memory_space<vmem>>) dst(%dma_wait3A_31 : memref<512xf32, #tpu.memory_space<hbm>>)
    %dma_wait3A_34 = arith.constant 512 : i32
    %dma_wait3A_35 = tpu.memref_slice %arg11[%dma_wait3A_34] : memref<1024xf32, #tpu.memory_space<vmem>> -> memref<512xf32, #tpu.memory_space<vmem>>
    %dma_wait3A_36 = tpu.memref_slice %arg6[%add3A_21] : memref<16384xf32, #tpu.memory_space<hbm>> -> memref<512xf32, #tpu.memory_space<hbm>>
    %dma_wait3A_37 = tpu.memref_slice %arg6[%add3A_21] : memref<16384xf32, #tpu.memory_space<hbm>> -> memref<512xf32, #tpu.memory_space<hbm>>
    %dma_wait3A_38 = arith.constant 512 : i32
    %dma_wait3A_39 = tpu.memref_slice %arg11[%dma_wait3A_38] : memref<1024xf32, #tpu.memory_space<vmem>> -> memref<512xf32, #tpu.memory_space<vmem>>
    tpu.wait_dma2 semaphore(%arg13 : memref<!tpu.dma_semaphore, #tpu.memory_space<semaphore_mem>>) src(%dma_wait3A_39 : memref<512xf32, #tpu.memory_space<vmem>>) dst(%dma_wait3A_37 : memref<512xf32, #tpu.memory_space<hbm>>)
    return
  }
}

</mosaic_0001>

<sc_bundles>
// kernel: kernel.3.cloned.1.call-start
scs
__scs_entry_jumppad:
0x0: {  	(pc) =	sbr.rel $0x88, $3  }
0x1: {  	(tag) =	ssettag $0x0;
	lr =	simm.s32 $0x1  }
0x2: {  	[smem:$0x3F9D] =	sst lr;
	_ =	strace $0xD0000000  }
0x3: {  	_ = 	snop  }
0x4: {  	_ = 	snop  }
0x5: {  	_ = 	snop  }
0x6: {  	_ = 	snop  }
0x7: {  	_ = 	snop  }
__scs_overlays_trampoline_lowered:
0x8: {  	[smem:$0x3FAC] =	sst s0  }
0x9: {  	[smem:$0x3FAD] =	sst s1  }
0xa: {  	[smem:$0x3FAE] =	sst s2  }
0xb: {  	[smem:$0x3FAF] =	sst s3  }
0xc: {  	[smem:$0x3FB0] =	sst s4  }
0xd: {  	[smem:$0x3FB1] =	sst s5  }
0xe: {  	[smem:$0x3FB2] =	sst s6  }
0xf: {  	[smem:$0x3FB3] =	sst s7  }
0x10: {  	[smem:$0x3FB4] =	sst s8  }
0x11: {  	[smem:$0x3FB5] =	sst s9;
	s0 =	simm.s32 @!p0 $0x0  }
0x12: {  	s1 =	sld [smem:$0x3F9B];
	s0 =	simm.s32 @p0 $0x1  }
0x13: {  	[smem:$0x3FB6] =	sst s0;
	s0 =	simm.s32 @!p1 $0x0  }
0x14: {  	s2 =	sld [smem:$0x3F9A];
	s0 =	simm.s32 @p1 $0x1  }
0x15: {  	[smem:$0x3FB7] =	sst s0;
	s0 =	simm.s32 @!p2 $0x0  }
0x16: {  	s3 =	sld [smem:$0x3FDB];
	s0 =	simm.s32 @p2 $0x1  }
0x17: {  	s4 =	simm.s32 $0x1BF5;
	[smem:$0x3FB9] =	sst s0  }
0x18: {  	s0 =	sld [smem:$0x3F9C];
	_ =	swait.ge [sflag:s4], $0x0  }
0x19: {  	s7 =	sld [smem:$0x3F9D]  }
0x1a: {  	s8 =	sadd.s32 $0xFFFFE003, lr  }
0x1b: {  	s9 =	sadd.s32 $0xFFFFFEF7, lr;
	s5 =	simm.s32 $0xFFFFFFFF;
	p2 =	slt.u32 s8, $0xFFFFF086  }
0x1c: {  	p1 =	slt.u32 s9, $0xF7A;
	s5 =	simm.s32 @!p2 $0x0  }
0x1d: {  	s5 =	simm.s32 @p1 $0x1;
	p0 =	seq.s32 s7, s2  }
0x1e: {  	s7 =	smul.u32 @!p0 $0xF7A, s2;
	p2 =	seq.s32 @!p0 s5, $0x0  }
0x1f: {  	s9 =	smul.u32 $0xF7A, s1;
	s8 =	simm.s32 @!p0 $0x1BF5;
	p2 =	por !p2, p0  }
0x20: {  	[sflag:s8] =	ssyncset.s32 @!p0 $0xFFFFF086;
	s6 =	sadd.s32 @!p0 s3, s7;
	s7 =	simm.s32 @!p0 $0x108  }
0x21: {  	s3 =	sadd.s32 s3, s9;
	s6 =	sadd.s32 @!p0 $0x88, s6;
	s7 =	simm.s32 @p2 $0x1082  }
0x22: {  	[simem:s7], [sflag:s8] =	dma.local @!p0 [hbm:s6], $0xF7A  }
0x23: {  	s9 =	sor.u32 $0xD0000000, s2;
	s6 =	simm.s32 $0x108;
	_ =	swait.ge @!p0 [sflag:s8], $0x0  }
0x24: {  	s3 =	sadd.s32 $0x88, s3;
	s6 =	simm.s32 @!p1 $0x1082;
	[sflag:s4] =	ssyncset.s32 $0xFFFFF086  }
0x25: {  	[simem:s6], [sflag:s4] =	dma.local [hbm:s3], $0xF7A  }
0x26: {  	[smem:$0x3F9D] =	sst s1;
	(tag) =	ssettag s2;
	_ =	strace s9  }
0x27: {  	s1 =	sld [smem:$0x3FAD]  }
0x28: {  	s2 =	sld [smem:$0x3FAE]  }
0x29: {  	s4 =	sld [smem:$0x3FB0]  }
0x2a: {  	p0 =	seq.s32 s5, $0x0;
	s5 =	sld [smem:$0x3FB1]  }
0x2b: {  	s6 =	sld [smem:$0x3FB2]  }
0x2c: {  	s7 =	sld [smem:$0x3FB3]  }
0x2d: {  	s3 =	simm.s32 $0x108;
	s8 =	sld [smem:$0x3FB4]  }
0x2e: {  	s3 =	simm.s32 @!p0 $0x1082;
	s9 =	sld [smem:$0x3FB5]  }
0x2f: {  	lr =	sadd.s32 s0, s3;
	s0 =	sld [smem:$0x3FAC]  }
0x30: {  	s3 =	sld [smem:$0x3FAF]  }
0x31: {  	[smem:$0x3FB8] =	sst s10  }
0x32: {  	s10 =	sld [smem:$0x3FB6];
	_ =	sdelay $0x3  }
0x33: {  	p0 =	seq.s32 s10, $0x1;
	s10 =	sld [smem:$0x3FB8];
	_ =	sdelay $0x3  }
0x34: {  	[smem:$0x3FB8] =	sst s10  }
0x35: {  	s10 =	sld [smem:$0x3FB7];
	_ =	sdelay $0x3  }
0x36: {  	p1 =	seq.s32 s10, $0x1;
	s10 =	sld [smem:$0x3FB8];
	_ =	sdelay $0x3  }
0x37: {  	[smem:$0x3FB8] =	sst s10  }
0x38: {  	s10 =	sld [smem:$0x3FB9]  }
0x39: {  	_ = 	snop;
	(pc) =	sbr.ind lr, $3  }
0x3a: {  	_ = 	snop  }
0x3b: {  	_ = 	snop  }
0x3c: {  	p2 =	seq.s32 s10, $0x1;
	s10 =	sld [smem:$0x3FB8]  }
0x3d: {  	_ =	shalt  }
0x3e: {  	_ =	shalt  }
0x3f: {  	_ =	shalt  }
0x40: {  	_ =	shalt  }
0x41: {  	_ =	shalt  }
0x42: {  	_ =	shalt  }
0x43: {  	_ =	shalt  }
0x44: {  	_ =	shalt  }
0x45: {  	_ =	shalt  }
0x46: {  	_ =	shalt  }
0x47: {  	_ =	shalt  }
0x48: {  	_ =	shalt  }
0x49: {  	_ =	shalt  }
0x4a: {  	_ =	shalt  }
0x4b: {  	_ =	shalt  }
0x4c: {  	_ =	shalt  }
0x4d: {  	_ =	shalt  }
0x4e: {  	_ =	shalt  }
0x4f: {  	_ =	shalt  }
0x50: {  	_ =	shalt  }
0x51: {  	_ =	shalt  }
0x52: {  	_ =	shalt  }
0x53: {  	_ =	shalt  }
0x54: {  	_ =	shalt  }
0x55: {  	_ =	shalt  }
0x56: {  	_ =	shalt  }
0x57: {  	_ =	shalt  }
0x58: {  	_ =	shalt  }
0x59: {  	_ =	shalt  }
0x5a: {  	_ =	shalt  }
0x5b: {  	_ =	shalt  }
0x5c: {  	_ =	shalt  }
0x5d: {  	_ =	shalt  }
0x5e: {  	_ =	shalt  }
0x5f: {  	_ =	shalt  }
0x60: {  	_ =	shalt  }
0x61: {  	_ =	shalt  }
0x62: {  	_ =	shalt  }
0x63: {  	_ =	shalt  }
0x64: {  	_ =	shalt  }
0x65: {  	_ =	shalt  }
0x66: {  	_ =	shalt  }
0x67: {  	_ =	shalt  }
0x68: {  	_ =	shalt  }
0x69: {  	_ =	shalt  }
0x6a: {  	_ =	shalt  }
0x6b: {  	_ =	shalt  }
0x6c: {  	_ =	shalt  }
0x6d: {  	_ =	shalt  }
0x6e: {  	_ =	shalt  }
0x6f: {  	_ =	shalt  }
0x70: {  	_ =	shalt  }
0x71: {  	_ =	shalt  }
0x72: {  	_ =	shalt  }
0x73: {  	_ =	shalt  }
0x74: {  	_ =	shalt  }
0x75: {  	_ =	shalt  }
0x76: {  	_ =	shalt  }
0x77: {  	_ =	shalt  }
0x78: {  	_ =	shalt  }
0x79: {  	_ =	shalt  }
0x7a: {  	_ =	shalt  }
0x7b: {  	_ =	shalt  }
0x7c: {  	_ =	shalt  }
0x7d: {  	_ =	shalt  }
0x7e: {  	_ =	shalt  }
0x7f: {  	_ =	shalt  }
0x80: {  	_ =	shalt  }
0x81: {  	_ =	shalt  }
0x82: {  	_ =	shalt  }
0x83: {  	_ =	shalt  }
0x84: {  	_ =	shalt  }
0x85: {  	_ =	shalt  }
0x86: {  	_ =	shalt  }
0x87: {  	_ =	shalt  }
.Lfunc_end0:
.L_simem_size_0:
called_computation_lowered:
.L_overlay_start_0:
0x88: {  	s0 =	sld [smem:$0x3FD9]  }
0x89: {  	s1 =	sld [smem:$0x3FFE];
	_ =	sdelay $0x3  }
0x8a: {  	s0 =	sadd.s32 s1, s0  }
0x8b: {  	[smem:$0x3FC4] =	sst s0  }
0x8c: {  	_ = 	snop  }
0x8d: {  	s0 =	sld [smem:$0x3FC9]  }
0x8e: {  	s17 =	sld [smem:$0x3FC8]  }
0x8f: {  	s2 =	sld [smem:$0x3FC7]  }
0x90: {  	s3 =	sld [smem:$0x3FC6]  }
0x91: {  	s4 =	sld [smem:$0x3FD0];
	(tm) =	ssettm $0x1  }
0x92: {  	s5 =	sld [smem:$0x3FFB];
	_ =	sdelay $0x3  }
0x93: {  	_ =	strace s5  }
0x94: {  	s5 =	sld [smem:$0x3FFC];
	_ =	sdelay $0x3  }
0x95: {  	_ =	strace s5  }
0x96: {  	s5 =	sld [smem:$0x3FFD];
	_ =	sdelay $0x3  }
0x97: {  	_ =	strace s5  }
0x98: {  	_ =	strace $0x8FFFFFFF  }
0x99: {  	s18 =	sld [smem:$0x3FDB];
	_ =	sdelay $0x1  }
0x9a: {  	s6 =	simm.s32 $_scs_section_size  }
0x9b: {  	s7 =	simm.s32 $_size__tile_overlayer_lowered;
	s8 =	simm.s32 $_tile_overlayer_lowered  }
0x9c: {  	s21 =	simm.s32 $0x1BFF;
	s20 =	sshll.u32 s8, $0x1;
	s5 =	sadd.s32 s6, s18  }
0x9d: {  	s9 =	simm.s32 $0x0;
	s19 =	sshll.u32 s7, $0x1;
	s7 =	sadd.s32 s20, s5  }
0x9e: {  	[timem:s9], [sflag:s21] =	dma.local [hbm:s7], s19  }
0x9f: {  	_ =	swait.ge [sflag:s21], s19  }
0xa0: {  	s6 =	ssub.s32 $0x0, s19;
	[sflag:s21] =	ssyncset.done $0x0  }
0xa1: {  	[sflag:s21] =	ssyncadd.s32 s6;
	_ =	sdelay $0x1  }
0xa2: {  	s22 =	simm.s32 $0x1B8B  }
0xa3: {  	_ =	swait.ge [sflag:s22], $0x1  }
0xa4: {  	[sflag:s22] =	ssyncset.done $0x0  }
0xa5: {  	s23 =	simm.s32 $0x1B8E;
	[sflag:s22] =	ssyncadd.s32 $0xFFFFFFFF  }
0xa6: {  	s24 =	simm.s32 $execute0_lowered;
	[smem:$0x3FD2] =	sst s23  }
0xa7: {  	s6 =	sshll.u32 s24, $0x1;
	_ =	strace $0x80000046;
	[dreg:$0x1] =	wrdreg $0xFFFFFFFF  }
0xa8: {  	s25 =	simm.s32 $_size_execute0_lowered;
	s5 =	sadd.s32 s5, s6;
	[dreg:$0x0] =	wrdreg $0x0  }
0xa9: {  	s6 =	sshll.u32 s25, $0x1;
	[dreg:$0x2] =	wrdreg s5  }
0xaa: {  	[dreg:$0x3] =	wrdreg s6  }
0xab: {  	[dreg:$0x4] =	wrdreg $0xC0  }
0xac: {  	_ =	task [dreg:s9], $0x5FFFF  }
0xad: {  	[dreg:$0x1] =	wrdreg $0xFFFFFFFF  }
0xae: {  	[dreg:$0x0] =	wrdreg $0x60  }
0xaf: {  	[dreg:$0x2] =	wrdreg s0  }
0xb0: {  	[dreg:$0x3] =	wrdreg s17  }
0xb1: {  	[dreg:$0x4] =	wrdreg s2  }
0xb2: {  	[dreg:$0x5] =	wrdreg s3  }
0xb3: {  	[dreg:$0x6] =	wrdreg s4  }
0xb4: {  	[dreg:$0x7] =	wrdreg $0x9  }
0xb5: {  	_ =	task.clear_ibuf [dreg:s9], $0x8FFFF;
	_ =	strace $0x90000046  }
0xb6: {  	s26 =	simm.s32 $0x9;
	_ =	strace $0x80000048  }
0xb7: {  	_ =	swait.ge [sflag:s26], $0x1  }
0xb8: {  	[sflag:s26] =	ssyncadd.s32 $0xFFFFFFFF  }
0xb9: {  	_ =	strace $0x90000048  }
0xba: {  	_ =	sfence  }
0xbb: {  	s28 =	sld [smem:$0x0];
	_ =	sdelay $0x1  }
0xbc: {  	s29 =	srdreg.scid  }
0xbd: {  	s30 =	sshll.u32 s29, $0xD;
	s31 =	sshrl.u32 s29, $0x2  }
0xbe: {  	s1 =	sand.u32 $0x1, s29;
	s2 =	sand.u32 $0x4000, s30;
	s0 =	sadd.s32 s31, s28  }
0xbf: {  	s1 =	sor.u32 s2, s1;
	s0 =	sshll.u32 s0, $0x11  }
0xc0: {  	s0 =	sor.u32 s0, s1  }
0xc1: {  	s0 =	sadd.s32 $0x8F2B, s0  }
0xc2: {  	[sflag:s0] =	ssyncadd.remote.s32 $0x1  }
0xc3: {  	_ =	sfence.sel $0xFFFF  }
0xc4: {  	[dreg:$0x0] =	wrdreg $0xFFFFFFFF;
	(pc) =	sbr.abs _section_cstart, $3  }
0xc5: {  	[dreg:$0x1] =	wrdreg $0xFFFFFFFF  }
0xc6: {  	_ =	task.clear_ibuf [dreg:s9], $0x2FFFF;
	_ =	strace $0x9FFFFFFF  }
0xc7: {  	(tm) =	ssettm $0x7FFFFFFF  }
tec
execute0_lowered:
.L_overlay_start_1:
0x0: {  	(tag) =	ssettag $0x1  }
0x1: {  	s6 =	rddreg [dreg:$0x0]  }
0x2: {  	s7 =	rddreg [dreg:$0x1]  }
0x3: {  	s3 =	rddreg [dreg:$0x2]  }
0x4: {  	s8 =	rddreg [dreg:$0x3]  }
0x5: {  	s2 =	rddreg [dreg:$0x4];
	s4 =	simm.s32 $0x0  }
0x6: {  	[smem:$0x7FF] =	sst s4  }
0x7: {  	s0 =	rddreg [dreg:$0x5];
	s1 =	stileid.u32;
	_ =	strace $0x80000047  }
0x8: {  	[tilespmem:s4], [sflag:$0x1] =	stream.linear.gather [hbm4b:s3+s4], $0x400, $0x38;
	[tilespmem:$0x1400] =	vst v63  }
0x9: {  	s5 =	simm.s32 $0x400;
	s3 =	sshll.u32 s1, $0x7  }
0xa: {  	[tilespmem:s5], [sflag:$0x1] =	stream.linear.gather [hbm4b:s8+s4], $0x400, $0x38;
	[tilespmem:$0x1400] =	vst v63  }
0xb: {  	s23 =	simm.s32 $0x800;
	s7 =	sadd.s32 s7, s3  }
0xc: {  	[tilespmem:s23], [sflag:$0x1] =	stream.linear.gather [hbm4b:s7+s4], $0x400, $0x38;
	[tilespmem:$0x1400] =	vst v63  }
0xd: {  	s24 =	simm.s32 $0xC00;
	s25 =	simm.s32 $0x1;
	s6 =	sadd.s32 s6, s3  }
0xe: {  	[tilespmem:s24], [sflag:$0x1] =	stream.linear.gather [hbm4b:s6+s4], $0x400, $0x38;
	[tilespmem:$0x1400] =	vst v63  }
0xf: {  	_ =	swait.ge [sflag:s25], $0x400  }
0x10: {  	[sflag:s25] =	ssyncset.done $0x0  }
0x11: {  	[sflag:s25] =	ssyncadd.s32 $0xFFFFFC00  }
0x12: {  	_ =	swait.ge [sflag:s25], $0x400  }
0x13: {  	[sflag:s25] =	ssyncset.done $0x0  }
0x14: {  	[sflag:s25] =	ssyncadd.s32 $0xFFFFFC00  }
0x15: {  	_ =	swait.ge [sflag:s25], $0x400  }
0x16: {  	[sflag:s25] =	ssyncset.done $0x0  }
0x17: {  	[sflag:s25] =	ssyncadd.s32 $0xFFFFFC00  }
0x18: {  	_ =	swait.ge [sflag:s25], $0x400  }
0x19: {  	[sflag:s25] =	ssyncset.done $0x0  }
0x1a: {  	s26 =	simm.s32 $0x810;
	[sflag:s25] =	ssyncadd.s32 $0xFFFFFC00  }
0x1b: {  	v0 =	vld [tilespmem:s26+$0x0];
	_ =	sdelay $0x1  }
0x1c: {  	v1 =	vld [tilespmem:s26+$0xFFFFFFF0]  }
0x1d: {  	s28 =	simm.s32 $0x830  }
0x1e: {  	s29 =	simm.s32 $0xC10;
	v2 =	vld [tilespmem:s28+$0x0]  }
0x1f: {  	v3 =	vld [tilespmem:s29+$0x0]  }
0x20: {  	v6 =	vld [tilespmem:s28+$0xFFFFFFF0]  }
0x21: {  	v7 =	vld [tilespmem:s29+$0xFFFFFFF0]  }
0x22: {  	v4 =	vld.idx.msk [tilespmem:v0+s4+$0x0], $0xffff  }
0x23: {  	v5 =	vld.idx.msk [tilespmem:v0+s5+$0x0], $0xffff  }
0x24: {  	v0 =	vld.idx.msk [tilespmem:v1+s4+$0x0], $0xffff  }
0x25: {  	s30 =	simm.s32 $0x850;
	v8 =	vld.idx.msk [tilespmem:v1+s5+$0x0], $0xffff  }
0x26: {  	v1 =	vld [tilespmem:s30+$0x0]  }
0x27: {  	s31 =	simm.s32 $0xC30;
	v9 =	vld.idx.msk [tilespmem:v2+s4+$0x0], $0xffff  }
0x28: {  	v10 =	vld [tilespmem:s31+$0x0]  }
0x29: {  	v11 =	vld.idx.msk [tilespmem:v2+s5+$0x0], $0xffff;
	v4 =	vand.u32 $0x7FFFFFFF, v4  }
0x2a: {  	v2 =	vmul.f32 v3, v4;
	v3 =	vand.u32 $0x7FFFFFFF, v0;
	v0 =	vld [tilespmem:s30+$0xFFFFFFF0]  }
0x2b: {  	v4 =	vand.u32 $0x7FFFFFFF, v5;
	v5 =	vmul.f32 v7, v3;
	v3 =	vld.idx.msk [tilespmem:v6+s4+$0x0], $0xffff  }
0x2c: {  	v7 =	vand.u32 $0x7FFFFFFF, v8;
	v8 =	vand.u32 $0x7FFFFFFF, v9;
	v2 =	vsub.f32 v4, v2;
	v4 =	vld [tilespmem:s31+$0xFFFFFFF0]  }
0x2d: {  	s6 =	simm.s32 $0x1010;
	v8 =	vmul.f32 v10, v8;
	v7 =	vsub.f32 v7, v5;
	v5 =	vld.idx.msk [tilespmem:v6+s5+$0x0], $0xffff  }
0x2e: {  	s7 =	simm.s32 $0xC50;
	v63 =	vand.u32 $0x7FFFFFFF, v11;
	v6 =	vld.idx.msk [tilespmem:v1+s4+$0x0], $0xffff;
	[tilespmem:s6+$0x0] =	vst v2  }
0x2f: {  	s9 =	simm.s32 $0x870;
	s8 =	simm.s32 $0x40;
	v2 =	vld [tilespmem:s7+$0x0];
	[tilespmem:s6+$0xFFFFFFF0] =	vst v7;
	v7 =	vsub.f32 v63, v8  }
.LBB2_1:
0x30: {  	v8 =	vld [tilespmem:s9+$0x0];
	s8 =	sadd.s32 $0x20, s8;
	v3 =	vand.u32 $0x7FFFFFFF, v3;
	s6 =	sadd.s32 $0x20, s6  }
0x31: {  	p0 =	slt.u32 s8, $0x1E0;
	v9 =	vld.idx.msk [tilespmem:v1+s5+$0x0], $0xffff;
	v1 =	vmul.f32 v4, v3;
	[tilespmem:s6+$0x0] =	vst v7  }
0x32: {  	v4 =	vand.u32 $0x7FFFFFFF, v5;
	v7 =	vld [tilespmem:s9+$0xFFFFFFF0]  }
0x33: {  	v3 =	vld.idx.msk [tilespmem:v0+s4+$0x0], $0xffff;
	v10 =	vsub.f32 v4, v1  }
.Ltmp0:
0x34: {  	v4 =	vld [tilespmem:s7+$0xFFFFFFF0];
	(pc) =	sbr.rel @p0 .LBB2_1-.Ltmp0, $4  }
0x35: {  	v6 =	vand.u32 $0x7FFFFFFF, v6;
	v5 =	vld.idx.msk [tilespmem:v0+s5+$0x0], $0xffff;
	[tilespmem:s6+$0xFFFFFFF0] =	vst v10;
	v1 =	vmov v8  }
0x36: {  	s7 =	sadd.s32 $0x20, s7;
	v10 =	vmul.f32 v2, v6  }
0x37: {  	v9 =	vand.u32 $0x7FFFFFFF, v9;
	v2 =	vld [tilespmem:s7+$0x0];
	v0 =	vmov v7  }
0x38: {  	s9 =	sadd.s32 $0x20, s9;
	v7 =	vsub.f32 v9, v10;
	v6 =	vld.idx.msk [tilespmem:v8+s4+$0x0], $0xffff  }
0x39: {  	_ =	sdelay $0x3  }
0x3a: {  	v1 =	vld.idx.msk [tilespmem:v1+s5+$0x0], $0xffff  }
0x3b: {  	v8 =	vld.idx.msk [tilespmem:v0+s4+$0x0], $0xffff  }
0x3c: {  	v9 =	vld [tilespmem:s7+$0xFFFFFFF0]  }
0x3d: {  	v0 =	vld.idx.msk [tilespmem:v0+s5+$0x0], $0xffff  }
0x3e: {  	v3 =	vand.u32 $0x7FFFFFFF, v3  }
0x3f: {  	v3 =	vmul.f32 v4, v3;
	v4 =	vand.u32 $0x7FFFFFFF, v6  }
0x40: {  	v5 =	vand.u32 $0x7FFFFFFF, v5;
	v2 =	vmul.f32 v2, v4;
	v4 =	vand.u32 $0x7FFFFFFF, v8  }
0x41: {  	s23 =	sadd.s32 $0x20, s6;
	v3 =	vsub.f32 v5, v3;
	v1 =	vand.u32 $0x7FFFFFFF, v1;
	v4 =	vmul.f32 v9, v4  }
0x42: {  	[tilespmem:s23+$0x0] =	vst v7;
	v0 =	vand.u32 $0x7FFFFFFF, v0;
	v1 =	vsub.f32 v1, v2  }
0x43: {  	s4 =	sadd.s32 $0x20, s23;
	[tilespmem:s23+$0xFFFFFFF0] =	vst v3;
	v0 =	vsub.f32 v0, v4  }
0x44: {  	s24 =	sadd.s32 s2, s3;
	[tilespmem:s4+$0x0] =	vst v1  }
0x45: {  	s25 =	simm.s32 $0x1000;
	s26 =	simm.s32 $0xA10;
	[tilespmem:s4+$0xFFFFFFF0] =	vst v0;
	s4 =	simm.s32 $0x0  }
0x46: {  	[hbm4b:s24+s4] =	stream.linear.scatter [tilespmem:s25], [sflag:$0x2], $0x200, $0x38;
	[tilespmem:$0x1400] =	vst v63  }
0x47: {  	v0 =	vld [tilespmem:s26+$0x0];
	_ =	sdelay $0x1  }
0x48: {  	v1 =	vld [tilespmem:s26+$0xFFFFFFF0]  }
0x49: {  	s28 =	simm.s32 $0xA30  }
0x4a: {  	s29 =	simm.s32 $0xE10;
	v2 =	vld [tilespmem:s28+$0x0]  }
0x4b: {  	v3 =	vld [tilespmem:s29+$0x0]  }
0x4c: {  	v6 =	vld [tilespmem:s28+$0xFFFFFFF0]  }
0x4d: {  	v7 =	vld [tilespmem:s29+$0xFFFFFFF0]  }
0x4e: {  	s5 =	simm.s32 $0x400;
	v4 =	vld.idx.msk [tilespmem:v0+s4+$0x0], $0xffff  }
0x4f: {  	v5 =	vld.idx.msk [tilespmem:v0+s5+$0x0], $0xffff  }
0x50: {  	v0 =	vld.idx.msk [tilespmem:v1+s4+$0x0], $0xffff  }
0x51: {  	v8 =	vld.idx.msk [tilespmem:v1+s5+$0x0], $0xffff  }
0x52: {  	s30 =	simm.s32 $0xA50;
	v62 =	vld.idx.msk [tilespmem:v2+s4+$0x0], $0xffff  }
0x53: {  	s31 =	simm.s32 $0xE30;
	v1 =	vld [tilespmem:s30+$0x0]  }
0x54: {  	v10 =	vld [tilespmem:s31+$0x0]  }
0x55: {  	v11 =	vld.idx.msk [tilespmem:v2+s5+$0x0], $0xffff;
	v4 =	vand.u32 $0x7FFFFFFF, v4  }
0x56: {  	v2 =	vand.u32 $0x7FFFFFFF, v0;
	v0 =	vld [tilespmem:s30+$0xFFFFFFF0];
	v3 =	vmul.f32 v3, v4  }
0x57: {  	v4 =	vand.u32 $0x7FFFFFFF, v5;
	v5 =	vmul.f32 v7, v2;
	v2 =	vld.idx.msk [tilespmem:v6+s4+$0x0], $0xffff  }
0x58: {  	v7 =	vsub.f32 v4, v3;
	v4 =	vand.u32 $0x7FFFFFFF, v8;
	v3 =	vld [tilespmem:s31+$0xFFFFFFF0];
	v8 =	vand.u32 $0x7FFFFFFF, v62  }
0x59: {  	s6 =	simm.s32 $0x1210;
	s7 =	simm.s32 $0xE50;
	v63 =	vsub.f32 v4, v5;
	v8 =	vmul.f32 v10, v8;
	v4 =	vld.idx.msk [tilespmem:v6+s5+$0x0], $0xffff  }
0x5a: {  	v5 =	vld [tilespmem:s7+$0x0];
	[tilespmem:s6+$0x0] =	vst v7;
	v7 =	vand.u32 $0x7FFFFFFF, v11  }
0x5b: {  	s8 =	simm.s32 $0x240;
	s9 =	simm.s32 $0xA70;
	v6 =	vld.idx.msk [tilespmem:v1+s4+$0x0], $0xffff;
	[tilespmem:s6+$0xFFFFFFF0] =	vst v63;
	v7 =	vsub.f32 v7, v8  }
.LBB2_3:
0x5c: {  	v8 =	vld [tilespmem:s9+$0x0];
	s8 =	sadd.s32 $0x20, s8;
	v2 =	vand.u32 $0x7FFFFFFF, v2;
	s6 =	sadd.s32 $0x20, s6  }
0x5d: {  	p0 =	slt.u32 s8, $0x3E0;
	v9 =	vld.idx.msk [tilespmem:v1+s5+$0x0], $0xffff;
	v1 =	vmul.f32 v3, v2;
	[tilespmem:s6+$0x0] =	vst v7  }
0x5e: {  	v3 =	vand.u32 $0x7FFFFFFF, v4;
	v7 =	vld [tilespmem:s9+$0xFFFFFFF0]  }
0x5f: {  	v2 =	vld.idx.msk [tilespmem:v0+s4+$0x0], $0xffff;
	v10 =	vsub.f32 v3, v1  }
.Ltmp1:
0x60: {  	v3 =	vld [tilespmem:s7+$0xFFFFFFF0];
	(pc) =	sbr.rel @p0 .LBB2_3-.Ltmp1, $4  }
0x61: {  	v6 =	vand.u32 $0x7FFFFFFF, v6;
	v4 =	vld.idx.msk [tilespmem:v0+s5+$0x0], $0xffff;
	[tilespmem:s6+$0xFFFFFFF0] =	vst v10;
	v1 =	vmov v8  }
0x62: {  	s7 =	sadd.s32 $0x20, s7;
	v10 =	vmul.f32 v5, v6  }
0x63: {  	v9 =	vand.u32 $0x7FFFFFFF, v9;
	v5 =	vld [tilespmem:s7+$0x0];
	v0 =	vmov v7  }
0x64: {  	s9 =	sadd.s32 $0x20, s9;
	v7 =	vsub.f32 v9, v10;
	v6 =	vld.idx.msk [tilespmem:v8+s4+$0x0], $0xffff  }
0x65: {  	_ =	sdelay $0x3  }
0x66: {  	v1 =	vld.idx.msk [tilespmem:v1+s5+$0x0], $0xffff  }
0x67: {  	v8 =	vld.idx.msk [tilespmem:v0+s4+$0x0], $0xffff  }
0x68: {  	v9 =	vld [tilespmem:s7+$0xFFFFFFF0]  }
0x69: {  	v60 =	vld.idx.msk [tilespmem:v0+s5+$0x0], $0xffff  }
0x6a: {  	v2 =	vand.u32 $0x7FFFFFFF, v2  }
0x6b: {  	v2 =	vmul.f32 v3, v2;
	v61 =	vand.u32 $0x7FFFFFFF, v6  }
0x6c: {  	v4 =	vand.u32 $0x7FFFFFFF, v4;
	v3 =	vmul.f32 v5, v61;
	v62 =	vand.u32 $0x7FFFFFFF, v8  }
0x6d: {  	s28 =	sadd.s32 $0x20, s6;
	v2 =	vsub.f32 v4, v2;
	v1 =	vand.u32 $0x7FFFFFFF, v1;
	v63 =	vmul.f32 v9, v62  }
0x6e: {  	[tilespmem:s28+$0x0] =	vst v7;
	v0 =	vand.u32 $0x7FFFFFFF, v60;
	v1 =	vsub.f32 v1, v3  }
0x6f: {  	s4 =	sadd.s32 $0x20, s28;
	[tilespmem:s28+$0xFFFFFFF0] =	vst v2;
	v0 =	vsub.f32 v0, v63  }
0x70: {  	s2 =	sadd.s32 s3, s2;
	s29 =	simm.s32 $0x0;
	[tilespmem:s4+$0x0] =	vst v1  }
0x71: {  	s30 =	simm.s32 $0x1200;
	s31 =	simm.s32 $0x2;
	s2 =	sadd.s32 $0x40, s2;
	[tilespmem:s4+$0xFFFFFFF0] =	vst v0  }
0x72: {  	[hbm4b:s2+s29] =	stream.linear.scatter [tilespmem:s30], [sflag:$0x2], $0x200, $0x38;
	[tilespmem:$0x1400] =	vst v63  }
0x73: {  	_ =	swait.ge [sflag:s31], $0x200  }
0x74: {  	[sflag:s31] =	ssyncset.done $0x0  }
0x75: {  	[sflag:s31] =	ssyncadd.s32 $0xFFFFFE00  }
0x76: {  	_ =	swait.ge [sflag:s31], $0x200  }
0x77: {  	[sflag:s31] =	ssyncset.done $0x0  }
0x78: {  	[sflag:s31] =	ssyncadd.s32 $0xFFFFFE00  }
0x79: {  	_ =	sfence.sel $0x180000  }
0x7a: {  	[bflag:$0x0] =	sbarrier.arrive $0xFFFF  }
0x7b: {  	p0 =	sne.s32 s1, $0x0;
	_ =	strace $0x90000047  }
0x7c: {  	s0 =	sadd.s32 @!p0 $0x100000, s0;
	[bflag:$0x2] =	sbarrier.arrive $0xFFFF  }
0x7d: {  	[sflag:s0] =	ssyncadd.tile.s32 @!p0 $0x1;
	_ =	shalt  }
.Lfunc_end2:
_tile_overlayer_lowered:
.L_overlay_start_2:
0x7e: {  	(tag) =	ssettag $0x2  }
0x7f: {  	s0 =	rddreg [dreg:$0x0];
	s2 =	stileid.u32  }
0x80: {  	s1 =	rddreg [dreg:$0x1];
	p0 =	sne.s32 s2, $0x0  }
0x81: {  	s3 =	rddreg [dreg:$0x2];
	[bflag:$0x3] =	sbarrier.arrive $0xFFFF;
	s2 =	simm.s32 @!p0 $0x1C03  }
0x82: {  	[timem:s3], [sflag:s2] =	dma.local @!p0 [hbm:s0], s1  }
0x83: {  	s0 =	simm.s32 @!p0 $0x3  }
0x84: {  	_ =	swait.ge @!p0 [sflag:s0], s1  }
0x85: {  	s1 =	ssub.s32 @!p0 $0x0, s1;
	[sflag:s0] =	ssyncset.done @!p0 $0x0  }
0x86: {  	[sflag:s0] =	ssyncadd.s32 @!p0 s1  }
0x87: {  	[bflag:$0x3] =	sbarrier.arrive $0xFFFF  }
0x88: {  	_ =	shalt  }

</sc_bundles>
